<compile_context>
chip_gen: v7x
topology: tpu7x:2x2x1
jax: 0.10.2.dev20260603
libtpu: 0.0.44.dev20260713+nightly
codegen_flags: <defaults>
</compile_context>

<pallas_src>
import jax
import jax.numpy as jnp
from jax import lax
from jax.experimental import pallas as pl
from jax.experimental.pallas import tpu as pltpu
from jax.experimental.pallas import tpu_sc as plsc

SIM_T = 0.8

_B = 8192
_N = 1024
_W = 1 + _N

_BSC = 512
_NC = 2
_NS = 16
_NW = _NC * _NS
_RPW = _BSC // _NW
_CH = 16
_NCH = _RPW // _CH

_BLK = 512
_TC0 = _BSC // _BLK
_NTC = (_B - _BSC) // _BLK


def _sc_body(
    out_hbm, cos_hbm, s_hbm,
    obuf_a, cbuf_a, obuf_b, cbuf_b, sloc, sem_a, sem_b,
):
    wid = lax.axis_index("s") * _NC + lax.axis_index("c")
    rows16 = lax.iota(jnp.int32, 16)
    zeros16 = rows16 * 0
    row0 = wid * _RPW

    def start(g, oref, cref, sem):
        base = row0 + g * _CH
        pltpu.async_copy(out_hbm.at[pl.ds(base, _CH)], oref, sem)
        pltpu.async_copy(cos_hbm.at[pl.ds(base, _CH)], cref, sem)

    def wait(oref, cref, sem):
        pltpu.make_async_copy(out_hbm.at[pl.ds(0, _CH)], oref, sem).wait()
        pltpu.make_async_copy(cos_hbm.at[pl.ds(0, _CH)], cref, sem).wait()

    def compute(g, oref, cref):
        out0 = plsc.load_gather(oref, [rows16, zeros16])

        def body(c, carry):
            sacc, oc, cc = carry
            o = plsc.load_gather(oref, [rows16, oc])
            cv = plsc.load_gather(cref, [rows16, cc])
            e = jnp.exp(o - out0)
            sacc = sacc + jnp.where(cv < SIM_T, e, 0.0)
            return (sacc, oc + 1, cc + 1)

        s, _, _ = plsc.parallel_loop(
            0, _N, unroll=8,
            carry=(jnp.zeros((16,), jnp.float32), zeros16 + 1, zeros16),
        )(body)
        sloc[pl.ds(g * _CH, _CH)] = s

    start(0, obuf_a, cbuf_a, sem_a)

    if _NCH == 1:
        wait(obuf_a, cbuf_a, sem_a)
        compute(0, obuf_a, cbuf_a)
    else:
        def pair(k, carry):
            g = 2 * k
            wait(obuf_a, cbuf_a, sem_a)
            start(g + 1, obuf_b, cbuf_b, sem_b)
            compute(g, obuf_a, cbuf_a)
            wait(obuf_b, cbuf_b, sem_b)
            start(jnp.minimum(g + 2, _NCH - 1), obuf_a, cbuf_a, sem_a)
            compute(g + 1, obuf_b, cbuf_b)
            return carry

        lax.fori_loop(0, _NCH // 2, pair, 0)
        wait(obuf_a, cbuf_a, sem_a)
    pltpu.sync_copy(sloc, s_hbm.at[pl.ds(row0, _RPW)])


def _sc_stage(output_flat, cos_flat):
    mesh = plsc.VectorSubcoreMesh(core_axis_name="c", subcore_axis_name="s")
    fn = pl.kernel(
        _sc_body,
        mesh=mesh,
        out_type=jax.ShapeDtypeStruct((_BSC,), jnp.float32),
        scratch_types=[
            pltpu.VMEM((_CH, _W), jnp.float32),
            pltpu.VMEM((_CH, _N), jnp.float32),
            pltpu.VMEM((_CH, _W), jnp.float32),
            pltpu.VMEM((_CH, _N), jnp.float32),
            pltpu.VMEM((_RPW,), jnp.float32),
            pltpu.SemaphoreType.DMA,
            pltpu.SemaphoreType.DMA,
        ],
        compiler_params=pltpu.CompilerParams(needs_layout_passes=False),
    )
    return fn(output_flat, cos_flat)


def _tc_body(o_ref, c_ref, acc_ref):
    o = o_ref[...]
    out0 = o[:, 0:1]
    e = jnp.exp(o - out0)
    kept = jnp.where(c_ref[...] < SIM_T, e[:, 1:], 0.0)
    s = 1.0 + jnp.sum(kept, axis=1)
    part = jnp.sum(jnp.log(s))

    @pl.when(pl.program_id(0) == 0)
    def _init():
        acc_ref[0, 0] = part

    @pl.when(pl.program_id(0) != 0)
    def _acc():
        acc_ref[0, 0] += part


def _tc_stage(output, cos):
    return pl.pallas_call(
        _tc_body,
        grid=(_NTC,),
        in_specs=[
            pl.BlockSpec((_BLK, _W), lambda i: (i + _TC0, 0)),
            pl.BlockSpec((_BLK, _N), lambda i: (i + _TC0, 0)),
        ],
        out_specs=pl.BlockSpec(memory_space=pltpu.SMEM),
        out_shape=jax.ShapeDtypeStruct((1, 1), jnp.float32),
    )(output, cos)


def _final_body(s_ref, p_ref, o_ref):
    sc_sum = jnp.sum(jnp.log1p(s_ref[...]))
    o_ref[0, 0] = (sc_sum + p_ref[0, 0]) * (1.0 / _B)


def kernel(output, target, cosine_similarities, args):
    del target, args
    s_sc = _sc_stage(output, cosine_similarities)
    tc_part = _tc_stage(output, cosine_similarities)
    res = pl.pallas_call(
        _final_body,
        in_specs=[
            pl.BlockSpec(memory_space=pltpu.VMEM),
            pl.BlockSpec(memory_space=pltpu.SMEM),
        ],
        out_specs=pl.BlockSpec(memory_space=pltpu.SMEM),
        out_shape=jax.ShapeDtypeStruct((1, 1), jnp.float32),
    )(s_sc.reshape(-1, 128), tc_part)
    return res[0, 0]

# --- scband reference (transcript-rebuilt; emitter-appended) ---
"""Pipeline reference for scband-purposive-pruner-loss-11166914969714 (READ-ONLY COPY).

The authoritative reference and input builder live on the scoring server;
editing this copy changes nothing except your own understanding.
"""

import jax, jax.numpy as jnp
import numpy as np

SIM_THRESHOLD = 0.8
NEG_INF = -1e30


def setup_inputs(seed: int = 0) -> dict:
    key = jax.random.key(seed)
    k1, k2 = jax.random.split(key)
    B, N = 8192, 1024
    output = jax.random.normal(k1, (B, 1 + N), dtype=jnp.float32)
    cosine_similarities = jax.random.uniform(k2, (B, N), dtype=jnp.float32)
    target = jnp.zeros((B,), dtype=jnp.int32)  # unused by the loss, kept for signature fidelity
    return {"output": output, "target": target, "cosine_similarities": cosine_similarities, "args": 0}


def reference(output, target, cosine_similarities, args):
    # Per-sample: keep logit 0 (positive) always; keep negative j iff cos[j] < thr.
    # CE with label 0 over the masked logits == logsumexp(masked) - output[:, 0].
    # Masking via -inf surrogate in logsumexp is mathematically identical to
    # torch.masked_select + CrossEntropyLoss(label=0), including zero grads for
    # masked-out entries.
    mask = cosine_similarities < SIM_THRESHOLD
    gt = jnp.ones((output.shape[0], 1), dtype=bool)
    full_mask = jnp.concatenate([gt, mask], axis=1)
    masked = jnp.where(full_mask, output, NEG_INF)
    lse = jax.nn.logsumexp(masked, axis=1)
    per_sample_loss = lse - output[:, 0]
    return per_sample_loss.mean()

if __name__ == "__main__":
    import jax
    _d = setup_inputs()
    print(jax.jit(kernel)(*tuple(_d.values())))

</pallas_src>

<mosaic_0001>
#map = affine_map<(d0, d1) -> (0, 0)>
#map1 = affine_map<(d0, d1) -> (0)>
module attributes {stable_mosaic.version = 14 : i64} {
  func.func @_sc_body(%arg0: i32, %arg1: i32, %arg2: memref<8192x1025xf32, #tpu.memory_space<hbm>>, %arg3: memref<8192x1024xf32, #tpu.memory_space<hbm>>, %arg4: memref<512xf32, #tpu.memory_space<hbm>>, %arg5: memref<16x1025xf32, #tpu.memory_space<vmem>>, %arg6: memref<16x1024xf32, #tpu.memory_space<vmem>>, %arg7: memref<16x1025xf32, #tpu.memory_space<vmem>>, %arg8: memref<16x1024xf32, #tpu.memory_space<vmem>>, %arg9: memref<16xf32, #tpu.memory_space<vmem>>, %arg10: memref<!tpu.dma_semaphore, #tpu.memory_space<semaphore_mem>>, %arg11: memref<!tpu.dma_semaphore, #tpu.memory_space<semaphore_mem>>) attributes {dimension_semantics = [#tpu.dimension_semantics<core_parallel>, #tpu.dimension_semantics<subcore_parallel>], iteration_bounds = array<i64: 2, 16>, scalar_prefetch = 0 : i64, scratch_operands = 7 : i64, tpu.core_type = #tpu.core_type<sc_vector_subcore>, window_params = [{transform_indices = #map}, {transform_indices = #map}, {transform_indices = #map1}]} {
    %mul3A = arith.constant 2 : i32
    %mul3A_0 = arith.muli %arg1, %mul3A : i32
    %add3A = arith.addi %mul3A_0, %arg0 : i32
    %iota3A = tpu.iota {dimensions = array<i32: 0>} : vector<16xi32>
    %mul3A_1 = arith.constant 0 : i32
    %mul3A_2 = vector.broadcast %mul3A_1 : i32 to vector<16xi32>
    %mul3A_3 = arith.muli %iota3A, %mul3A_2 : vector<16xi32>
    %mul3A_4 = arith.constant 16 : i32
    %mul3A_5 = arith.muli %add3A, %mul3A_4 : i32
    %add3A_6 = arith.constant 0 : i32
    %add3A_7 = arith.addi %mul3A_5, %add3A_6 : i32
    %dma_start3A = arith.constant 0 : i32
    %dma_start3A_8 = tpu.memref_slice %arg2[%add3A_7, %dma_start3A] : memref<8192x1025xf32, #tpu.memory_space<hbm>> -> memref<16x1025xf32, #tpu.memory_space<hbm>>
    %dma_start3A_9 = arith.constant 0 : i32
    %dma_start3A_10 = tpu.memref_slice %arg2[%add3A_7, %dma_start3A_9] : memref<8192x1025xf32, #tpu.memory_space<hbm>> -> memref<16x1025xf32, #tpu.memory_space<hbm>>
    tpu.enqueue_dma source(%dma_start3A_10 : memref<16x1025xf32, #tpu.memory_space<hbm>>) target(%arg5 : memref<16x1025xf32, #tpu.memory_space<vmem>>) target_semaphore(%arg10 : memref<!tpu.dma_semaphore, #tpu.memory_space<semaphore_mem>>)
    %dma_start3A_11 = arith.constant 0 : i32
    %dma_start3A_12 = tpu.memref_slice %arg3[%add3A_7, %dma_start3A_11] : memref<8192x1024xf32, #tpu.memory_space<hbm>> -> memref<16x1024xf32, #tpu.memory_space<hbm>>
    %dma_start3A_13 = arith.constant 0 : i32
    %dma_start3A_14 = tpu.memref_slice %arg3[%add3A_7, %dma_start3A_13] : memref<8192x1024xf32, #tpu.memory_space<hbm>> -> memref<16x1024xf32, #tpu.memory_space<hbm>>
    tpu.enqueue_dma source(%dma_start3A_14 : memref<16x1024xf32, #tpu.memory_space<hbm>>) target(%arg6 : memref<16x1024xf32, #tpu.memory_space<vmem>>) target_semaphore(%arg10 : memref<!tpu.dma_semaphore, #tpu.memory_space<semaphore_mem>>)
    %dma_wait3A = arith.constant 0 : i32
    %dma_wait3A_15 = arith.constant 0 : i32
    %dma_wait3A_16 = tpu.memref_slice %arg2[%dma_wait3A, %dma_wait3A_15] : memref<8192x1025xf32, #tpu.memory_space<hbm>> -> memref<16x1025xf32, #tpu.memory_space<hbm>>
    %dma_wait3A_17 = arith.constant 0 : i32
    %dma_wait3A_18 = arith.constant 0 : i32
    %dma_wait3A_19 = tpu.memref_slice %arg2[%dma_wait3A_17, %dma_wait3A_18] : memref<8192x1025xf32, #tpu.memory_space<hbm>> -> memref<16x1025xf32, #tpu.memory_space<hbm>>
    tpu.wait_dma2 semaphore(%arg10 : memref<!tpu.dma_semaphore, #tpu.memory_space<semaphore_mem>>) src(%dma_wait3A_19 : memref<16x1025xf32, #tpu.memory_space<hbm>>) dst(%arg5 : memref<16x1025xf32, #tpu.memory_space<vmem>>)
    %dma_wait3A_20 = arith.constant 0 : i32
    %dma_wait3A_21 = arith.constant 0 : i32
    %dma_wait3A_22 = tpu.memref_slice %arg3[%dma_wait3A_20, %dma_wait3A_21] : memref<8192x1024xf32, #tpu.memory_space<hbm>> -> memref<16x1024xf32, #tpu.memory_space<hbm>>
    %dma_wait3A_23 = arith.constant 0 : i32
    %dma_wait3A_24 = arith.constant 0 : i32
    %dma_wait3A_25 = tpu.memref_slice %arg3[%dma_wait3A_23, %dma_wait3A_24] : memref<8192x1024xf32, #tpu.memory_space<hbm>> -> memref<16x1024xf32, #tpu.memory_space<hbm>>
    tpu.wait_dma2 semaphore(%arg10 : memref<!tpu.dma_semaphore, #tpu.memory_space<semaphore_mem>>) src(%dma_wait3A_25 : memref<16x1024xf32, #tpu.memory_space<hbm>>) dst(%arg6 : memref<16x1024xf32, #tpu.memory_space<vmem>>)
    %gather3A = tpu.vector_load_idx %arg5[%iota3A, %mul3A_3] : memref<16x1025xf32, #tpu.memory_space<vmem>>[vector<16xi32>, vector<16xi32>], vector<16xf32>,
    %broadcast_in_dim3A = arith.constant 0.000000e+00 : f32
    %broadcast_in_dim3A_26 = vector.broadcast %broadcast_in_dim3A : f32 to vector<16xf32>
    %add3A_27 = arith.constant 1 : i32
    %add3A_28 = vector.broadcast %add3A_27 : i32 to vector<16xi32>
    %add3A_29 = arith.addi %mul3A_3, %add3A_28 : vector<16xi32>
    %parallel_loop3A = arith.constant 0 : i32
    %parallel_loop3A_30 = arith.constant 1024 : i32
    %parallel_loop3A_31 = arith.constant 1 : i32
    %parallel_loop3A_32:3 = scf.for %parallel_loop3A_34 = %parallel_loop3A to %parallel_loop3A_30 step %parallel_loop3A_31 iter_args(%parallel_loop3A_35 = %broadcast_in_dim3A_26, %parallel_loop3A_36 = %add3A_29, %parallel_loop3A_37 = %mul3A_3) -> (vector<16xf32>, vector<16xi32>, vector<16xi32>)  : i32 {
      %parallel_loop3A_38 = tpu.vector_load_idx %arg5[%iota3A, %parallel_loop3A_36] : memref<16x1025xf32, #tpu.memory_space<vmem>>[vector<16xi32>, vector<16xi32>], vector<16xf32>,
      %parallel_loop3A_39 = tpu.vector_load_idx %arg6[%iota3A, %parallel_loop3A_37] : memref<16x1024xf32, #tpu.memory_space<vmem>>[vector<16xi32>, vector<16xi32>], vector<16xf32>,
      %parallel_loop3A_40 = arith.subf %parallel_loop3A_38, %gather3A : vector<16xf32>
      %parallel_loop3A_41 = math.exp %parallel_loop3A_40 : vector<16xf32>
      %parallel_loop3A_42 = arith.constant 8.000000e-01 : f32
      %parallel_loop3A_43 = vector.broadcast %parallel_loop3A_42 : f32 to vector<16xf32>
      %parallel_loop3A_44 = arith.cmpf olt, %parallel_loop3A_39, %parallel_loop3A_43 : vector<16xf32>
      %parallel_loop3A_45 = arith.constant 0.000000e+00 : f32
      %parallel_loop3A_46 = vector.broadcast %parallel_loop3A_45 : f32 to vector<16xf32>
      %parallel_loop3A_47 = arith.select %parallel_loop3A_44, %parallel_loop3A_41, %parallel_loop3A_46 : vector<16xi1>, vector<16xf32>
      %parallel_loop3A_48 = arith.addf %parallel_loop3A_35, %parallel_loop3A_47 : vector<16xf32>
      %parallel_loop3A_49 = arith.constant 1 : i32
      %parallel_loop3A_50 = vector.broadcast %parallel_loop3A_49 : i32 to vector<16xi32>
      %parallel_loop3A_51 = arith.addi %parallel_loop3A_36, %parallel_loop3A_50 : vector<16xi32>
      %parallel_loop3A_52 = arith.constant 1 : i32
      %parallel_loop3A_53 = vector.broadcast %parallel_loop3A_52 : i32 to vector<16xi32>
      %parallel_loop3A_54 = arith.addi %parallel_loop3A_37, %parallel_loop3A_53 : vector<16xi32>
      scf.yield %parallel_loop3A_48, %parallel_loop3A_51, %parallel_loop3A_54 : vector<16xf32>, vector<16xi32>, vector<16xi32>
    } {sc.loop_unroll_factor = 8 : i64, sc.parallel_access}
    %swap3A = arith.constant 0 : index
    %swap3A_33 = tpu.vector_load %arg9[%swap3A] {strides = array<i32>} : memref<16xf32, #tpu.memory_space<vmem>>, vector<16xf32>,
    tpu.vector_store %arg9[%swap3A], %parallel_loop3A_32#0 {strides = array<i32>} : memref<16xf32, #tpu.memory_space<vmem>>, vector<16xf32>,
    "tpu.region"() ({
      %run_scoped3A = tpu.sem_alloc : memref<!tpu.dma_semaphore, #tpu.memory_space<semaphore_mem>>
      %dma_start3A_34 = tpu.memref_slice %arg4[%mul3A_5] : memref<512xf32, #tpu.memory_space<hbm>> -> memref<16xf32, #tpu.memory_space<hbm>>
      %dma_start3A_35 = tpu.memref_slice %arg4[%mul3A_5] : memref<512xf32, #tpu.memory_space<hbm>> -> memref<16xf32, #tpu.memory_space<hbm>>
      tpu.enqueue_dma source(%arg9 : memref<16xf32, #tpu.memory_space<vmem>>) target(%dma_start3A_35 : memref<16xf32, #tpu.memory_space<hbm>>) target_semaphore(%run_scoped3A : memref<!tpu.dma_semaphore, #tpu.memory_space<semaphore_mem>>)
      %dma_wait3A_36 = tpu.memref_slice %arg4[%mul3A_5] : memref<512xf32, #tpu.memory_space<hbm>> -> memref<16xf32, #tpu.memory_space<hbm>>
      %dma_wait3A_37 = tpu.memref_slice %arg4[%mul3A_5] : memref<512xf32, #tpu.memory_space<hbm>> -> memref<16xf32, #tpu.memory_space<hbm>>
      tpu.wait_dma2 semaphore(%run_scoped3A : memref<!tpu.dma_semaphore, #tpu.memory_space<semaphore_mem>>) src(%arg9 : memref<16xf32, #tpu.memory_space<vmem>>) dst(%dma_wait3A_37 : memref<16xf32, #tpu.memory_space<hbm>>)
      tpu.yield
    }) : () -> ()
    return
  }
}

module attributes {stable_mosaic.version = 14 : i64} {
  func.func @_final_body(%arg0: memref<4x128xf32, #tpu.memory_space<vmem>>, %arg1: memref<1x1xf32, #tpu.memory_space<smem>>, %arg2: memref<1x1xf32, #tpu.memory_space<smem>>) attributes {dimension_semantics = [], scalar_prefetch = 0 : i64, scratch_operands = 0 : i64, tpu.core_type = #tpu.core_type<tc>} {
    %get3A = arith.constant 0 : index
    %get3A_0 = arith.constant 0 : index
    %get3A_1 = vector.load %arg0[%get3A, %get3A_0] : memref<4x128xf32, #tpu.memory_space<vmem>>, vector<4x128xf32>
    %log1p3A = math.log1p %get3A_1 : vector<4x128xf32>
    %reduce_sum3A = vector.shape_cast %log1p3A : vector<4x128xf32> to vector<1x4x128xf32>
    %reduce_sum3A_2 = arith.constant dense<0.000000e+00> : vector<1xf32>
    %reduce_sum3A_3 = vector.multi_reduction <add>, %reduce_sum3A, %reduce_sum3A_2 [1, 2] : vector<1x4x128xf32> to vector<1xf32>
    %reduce_sum3A_4 = vector.shape_cast %reduce_sum3A_3 : vector<1xf32> to vector<1x1x1xf32>
    %reduce_sum3A_5 = vector.extract %reduce_sum3A_4[0, 0, 0] : f32 from vector<1x1x1xf32>
    %get3A_6 = arith.constant 0 : index
    %get3A_7 = arith.constant 0 : index
    %get3A_8 = memref.load %arg1[%get3A_6, %get3A_7] : memref<1x1xf32, #tpu.memory_space<smem>>
    %add3A = arith.addf %reduce_sum3A_5, %get3A_8 : f32
    %mul3A = arith.constant 1.22070313E-4 : f32
    %mul3A_9 = arith.mulf %add3A, %mul3A : f32
    %swap3A = arith.constant 0 : index
    %swap3A_10 = arith.constant 0 : index
    %swap3A_11 = memref.load %arg2[%swap3A, %swap3A_10] : memref<1x1xf32, #tpu.memory_space<smem>>
    memref.store %mul3A_9, %arg2[%swap3A, %swap3A_10] : memref<1x1xf32, #tpu.memory_space<smem>>
    return
  }
}

module attributes {stable_mosaic.version = 14 : i64} {
  func.func @_tc_body(%arg0: i32, %arg1: memref<512x1025xf32, #tpu.memory_space<vmem>>, %arg2: memref<512x1024xf32, #tpu.memory_space<vmem>>, %arg3: memref<1x1xf32, #tpu.memory_space<smem>>) attributes {dimension_semantics = [#tpu.dimension_semantics<arbitrary>], iteration_bounds = array<i64: 15>, scalar_prefetch = 0 : i64, scratch_operands = 0 : i64, tpu.core_type = #tpu.core_type<tc>, window_params = [{transform_indices = @transform_0, window_bounds = array<i64: 512, 1025>}, {transform_indices = @transform_1, window_bounds = array<i64: 512, 1024>}, {transform_indices = @transform_2, window_bounds = array<i64: 1, 1>}]} {
    %get3A = arith.constant 0 : index
    %get3A_0 = arith.constant 0 : index
    %get3A_1 = vector.load %arg1[%get3A, %get3A_0] : memref<512x1025xf32, #tpu.memory_space<vmem>>, vector<512x1025xf32>
    %slice3A = vector.extract_strided_slice %get3A_1 {offsets = [0, 0], sizes = [512, 1], strides = [1, 1]} : vector<512x1025xf32> to vector<512x1xf32>
    %sub3A = vector.broadcast %slice3A : vector<512x1xf32> to vector<512x1025xf32>
    %sub3A_2 = arith.subf %get3A_1, %sub3A : vector<512x1025xf32>
    %exp3A = math.exp %sub3A_2 : vector<512x1025xf32>
    %get3A_3 = arith.constant 0 : index
    %get3A_4 = arith.constant 0 : index
    %get3A_5 = vector.load %arg2[%get3A_3, %get3A_4] : memref<512x1024xf32, #tpu.memory_space<vmem>>, vector<512x1024xf32>
    %lt3A = arith.constant 8.000000e-01 : f32
    %lt3A_6 = vector.broadcast %lt3A : f32 to vector<512x1024xf32>
    %lt3A_7 = arith.cmpf olt, %get3A_5, %lt3A_6 : vector<512x1024xf32>
    %slice3A_8 = vector.extract_strided_slice %exp3A {offsets = [0, 1], sizes = [512, 1024], strides = [1, 1]} : vector<512x1025xf32> to vector<512x1024xf32>
    %jit3A = arith.constant 0.000000e+00 : f32
    %broadcast_in_dim3A = vector.broadcast %jit3A : f32 to vector<512x1024xf32>
    %select_n3A = arith.select %lt3A_7, %slice3A_8, %broadcast_in_dim3A : vector<512x1024xi1>, vector<512x1024xf32>
    %reduce_sum3A = arith.constant dense<0.000000e+00> : vector<512xf32>
    %reduce_sum3A_9 = vector.multi_reduction <add>, %select_n3A, %reduce_sum3A [1] : vector<512x1024xf32> to vector<512xf32>
    %add3A = arith.constant 1.000000e+00 : f32
    %add3A_10 = vector.broadcast %add3A : f32 to vector<512xf32>
    %add3A_11 = arith.addf %add3A_10, %reduce_sum3A_9 : vector<512xf32>
    %log3A = math.log %add3A_11 : vector<512xf32>
    %reduce_sum3A_12 = vector.shape_cast %log3A : vector<512xf32> to vector<1x512xf32>
    %reduce_sum3A_13 = arith.constant dense<0.000000e+00> : vector<1xf32>
    %reduce_sum3A_14 = vector.multi_reduction <add>, %reduce_sum3A_12, %reduce_sum3A_13 [1] : vector<1x512xf32> to vector<1xf32>
    %reduce_sum3A_15 = vector.shape_cast %reduce_sum3A_14 : vector<1xf32> to vector<1x1xf32>
    %reduce_sum3A_16 = vector.extract %reduce_sum3A_15[0, 0] : f32 from vector<1x1xf32>
    %eq3A = arith.constant 0 : i32
    %eq3A_17 = arith.cmpi eq, %arg0, %eq3A : i32
    %convert_element_type3A = arith.extui %eq3A_17 : i1 to i32
    %cond3A = arith.constant 0 : i32
    %cond3A_18 = arith.cmpi ne, %convert_element_type3A, %cond3A : i32
    scf.if %cond3A_18 {
      %swap3A = arith.constant 0 : index
      %swap3A_23 = arith.constant 0 : index
      %swap3A_24 = memref.load %arg3[%swap3A, %swap3A_23] : memref<1x1xf32, #tpu.memory_space<smem>>
      memref.store %reduce_sum3A_16, %arg3[%swap3A, %swap3A_23] : memref<1x1xf32, #tpu.memory_space<smem>>
    } else {
    }
    %ne3A = arith.constant 0 : i32
    %ne3A_19 = arith.cmpi ne, %arg0, %ne3A : i32
    %convert_element_type3A_20 = arith.extui %ne3A_19 : i1 to i32
    %cond3A_21 = arith.constant 0 : i32
    %cond3A_22 = arith.cmpi ne, %convert_element_type3A_20, %cond3A_21 : i32
    scf.if %cond3A_22 {
      %get3A_23 = arith.constant 0 : index
      %get3A_24 = arith.constant 0 : index
      %get3A_25 = memref.load %arg3[%get3A_23, %get3A_24] : memref<1x1xf32, #tpu.memory_space<smem>>
      %add3A_26 = arith.addf %get3A_25, %reduce_sum3A_16 : f32
      %swap3A = arith.constant 0 : index
      %swap3A_27 = arith.constant 0 : index
      %swap3A_28 = memref.load %arg3[%swap3A, %swap3A_27] : memref<1x1xf32, #tpu.memory_space<smem>>
      memref.store %add3A_26, %arg3[%swap3A, %swap3A_27] : memref<1x1xf32, #tpu.memory_space<smem>>
    } else {
    }
    return
  }
  func.func @transform_0(%arg0: i32) -> (i32, i32) {
    %add3A = arith.constant 1 : i32
    %add3A_0 = arith.addi %arg0, %add3A : i32
    %c0_i32 = arith.constant 0 : i32
    %c0_i32_1 = arith.constant 0 : i32
    return %add3A_0, %c0_i32 : i32, i32
  }
  func.func @transform_1(%arg0: i32) -> (i32, i32) {
    %add3A = arith.constant 1 : i32
    %add3A_0 = arith.addi %arg0, %add3A : i32
    %c0_i32 = arith.constant 0 : i32
    %c0_i32_1 = arith.constant 0 : i32
    return %add3A_0, %c0_i32 : i32, i32
  }
  func.func @transform_2(%arg0: i32) -> (i32, i32) {
    %c0_i32 = arith.constant 0 : i32
    %c0_i32_0 = arith.constant 0 : i32
    %c0_i32_1 = arith.constant 0 : i32
    return %c0_i32, %c0_i32_0 : i32, i32
  }
}

</mosaic_0001>

<sc_bundles>
// kernel: kernel.5.cloned.1.call-start
scs
__scs_entry_jumppad:
0x0: {  	(pc) =	sbr.rel $0x88, $3  }
0x1: {  	(tag) =	ssettag $0x0;
	lr =	simm.s32 $0x1  }
0x2: {  	[smem:$0x3F9F] =	sst lr;
	_ =	strace $0xD0000000  }
0x3: {  	_ = 	snop  }
0x4: {  	_ = 	snop  }
0x5: {  	_ = 	snop  }
0x6: {  	_ = 	snop  }
0x7: {  	_ = 	snop  }
__scs_overlays_trampoline_lowered:
0x8: {  	[smem:$0x3FAE] =	sst s0  }
0x9: {  	[smem:$0x3FAF] =	sst s1  }
0xa: {  	[smem:$0x3FB0] =	sst s2  }
0xb: {  	[smem:$0x3FB1] =	sst s3  }
0xc: {  	[smem:$0x3FB2] =	sst s4  }
0xd: {  	[smem:$0x3FB3] =	sst s5  }
0xe: {  	[smem:$0x3FB4] =	sst s6  }
0xf: {  	[smem:$0x3FB5] =	sst s7  }
0x10: {  	[smem:$0x3FB6] =	sst s8  }
0x11: {  	[smem:$0x3FB7] =	sst s9;
	s0 =	simm.s32 @!p0 $0x0  }
0x12: {  	s1 =	sld [smem:$0x3F9D];
	s0 =	simm.s32 @p0 $0x1  }
0x13: {  	[smem:$0x3FB8] =	sst s0;
	s0 =	simm.s32 @!p1 $0x0  }
0x14: {  	s2 =	sld [smem:$0x3F9C];
	s0 =	simm.s32 @p1 $0x1  }
0x15: {  	[smem:$0x3FB9] =	sst s0;
	s0 =	simm.s32 @!p2 $0x0  }
0x16: {  	s3 =	sld [smem:$0x3FDB];
	s0 =	simm.s32 @p2 $0x1  }
0x17: {  	s4 =	simm.s32 $0x1BF5;
	[smem:$0x3FBB] =	sst s0  }
0x18: {  	s0 =	sld [smem:$0x3F9E];
	_ =	swait.ge [sflag:s4], $0x0  }
0x19: {  	s7 =	sld [smem:$0x3F9F]  }
0x1a: {  	s8 =	sadd.s32 $0xFFFFE003, lr  }
0x1b: {  	s9 =	sadd.s32 $0xFFFFFEF7, lr;
	s5 =	simm.s32 $0xFFFFFFFF;
	p2 =	slt.u32 s8, $0xFFFFF086  }
0x1c: {  	p1 =	slt.u32 s9, $0xF7A;
	s5 =	simm.s32 @!p2 $0x0  }
0x1d: {  	s5 =	simm.s32 @p1 $0x1;
	p0 =	seq.s32 s7, s2  }
0x1e: {  	s7 =	smul.u32 @!p0 $0xF7A, s2;
	p2 =	seq.s32 @!p0 s5, $0x0  }
0x1f: {  	s9 =	smul.u32 $0xF7A, s1;
	s8 =	simm.s32 @!p0 $0x1BF5;
	p2 =	por !p2, p0  }
0x20: {  	[sflag:s8] =	ssyncset.s32 @!p0 $0xFFFFF086;
	s6 =	sadd.s32 @!p0 s3, s7;
	s7 =	simm.s32 @!p0 $0x108  }
0x21: {  	s3 =	sadd.s32 s3, s9;
	s6 =	sadd.s32 @!p0 $0x88, s6;
	s7 =	simm.s32 @p2 $0x1082  }
0x22: {  	[simem:s7], [sflag:s8] =	dma.local @!p0 [hbm:s6], $0xF7A  }
0x23: {  	s9 =	sor.u32 $0xD0000000, s2;
	s6 =	simm.s32 $0x108;
	_ =	swait.ge @!p0 [sflag:s8], $0x0  }
0x24: {  	s3 =	sadd.s32 $0x88, s3;
	s6 =	simm.s32 @!p1 $0x1082;
	[sflag:s4] =	ssyncset.s32 $0xFFFFF086  }
0x25: {  	[simem:s6], [sflag:s4] =	dma.local [hbm:s3], $0xF7A  }
0x26: {  	[smem:$0x3F9F] =	sst s1;
	(tag) =	ssettag s2;
	_ =	strace s9  }
0x27: {  	s1 =	sld [smem:$0x3FAF]  }
0x28: {  	s2 =	sld [smem:$0x3FB0]  }
0x29: {  	s4 =	sld [smem:$0x3FB2]  }
0x2a: {  	p0 =	seq.s32 s5, $0x0;
	s5 =	sld [smem:$0x3FB3]  }
0x2b: {  	s6 =	sld [smem:$0x3FB4]  }
0x2c: {  	s7 =	sld [smem:$0x3FB5]  }
0x2d: {  	s3 =	simm.s32 $0x108;
	s8 =	sld [smem:$0x3FB6]  }
0x2e: {  	s3 =	simm.s32 @!p0 $0x1082;
	s9 =	sld [smem:$0x3FB7]  }
0x2f: {  	lr =	sadd.s32 s0, s3;
	s0 =	sld [smem:$0x3FAE]  }
0x30: {  	s3 =	sld [smem:$0x3FB1]  }
0x31: {  	[smem:$0x3FBA] =	sst s10  }
0x32: {  	s10 =	sld [smem:$0x3FB8];
	_ =	sdelay $0x3  }
0x33: {  	p0 =	seq.s32 s10, $0x1;
	s10 =	sld [smem:$0x3FBA];
	_ =	sdelay $0x3  }
0x34: {  	[smem:$0x3FBA] =	sst s10  }
0x35: {  	s10 =	sld [smem:$0x3FB9];
	_ =	sdelay $0x3  }
0x36: {  	p1 =	seq.s32 s10, $0x1;
	s10 =	sld [smem:$0x3FBA];
	_ =	sdelay $0x3  }
0x37: {  	[smem:$0x3FBA] =	sst s10  }
0x38: {  	s10 =	sld [smem:$0x3FBB]  }
0x39: {  	_ = 	snop;
	(pc) =	sbr.ind lr, $3  }
0x3a: {  	_ = 	snop  }
0x3b: {  	_ = 	snop  }
0x3c: {  	p2 =	seq.s32 s10, $0x1;
	s10 =	sld [smem:$0x3FBA]  }
0x3d: {  	_ =	shalt  }
0x3e: {  	_ =	shalt  }
0x3f: {  	_ =	shalt  }
0x40: {  	_ =	shalt  }
0x41: {  	_ =	shalt  }
0x42: {  	_ =	shalt  }
0x43: {  	_ =	shalt  }
0x44: {  	_ =	shalt  }
0x45: {  	_ =	shalt  }
0x46: {  	_ =	shalt  }
0x47: {  	_ =	shalt  }
0x48: {  	_ =	shalt  }
0x49: {  	_ =	shalt  }
0x4a: {  	_ =	shalt  }
0x4b: {  	_ =	shalt  }
0x4c: {  	_ =	shalt  }
0x4d: {  	_ =	shalt  }
0x4e: {  	_ =	shalt  }
0x4f: {  	_ =	shalt  }
0x50: {  	_ =	shalt  }
0x51: {  	_ =	shalt  }
0x52: {  	_ =	shalt  }
0x53: {  	_ =	shalt  }
0x54: {  	_ =	shalt  }
0x55: {  	_ =	shalt  }
0x56: {  	_ =	shalt  }
0x57: {  	_ =	shalt  }
0x58: {  	_ =	shalt  }
0x59: {  	_ =	shalt  }
0x5a: {  	_ =	shalt  }
0x5b: {  	_ =	shalt  }
0x5c: {  	_ =	shalt  }
0x5d: {  	_ =	shalt  }
0x5e: {  	_ =	shalt  }
0x5f: {  	_ =	shalt  }
0x60: {  	_ =	shalt  }
0x61: {  	_ =	shalt  }
0x62: {  	_ =	shalt  }
0x63: {  	_ =	shalt  }
0x64: {  	_ =	shalt  }
0x65: {  	_ =	shalt  }
0x66: {  	_ =	shalt  }
0x67: {  	_ =	shalt  }
0x68: {  	_ =	shalt  }
0x69: {  	_ =	shalt  }
0x6a: {  	_ =	shalt  }
0x6b: {  	_ =	shalt  }
0x6c: {  	_ =	shalt  }
0x6d: {  	_ =	shalt  }
0x6e: {  	_ =	shalt  }
0x6f: {  	_ =	shalt  }
0x70: {  	_ =	shalt  }
0x71: {  	_ =	shalt  }
0x72: {  	_ =	shalt  }
0x73: {  	_ =	shalt  }
0x74: {  	_ =	shalt  }
0x75: {  	_ =	shalt  }
0x76: {  	_ =	shalt  }
0x77: {  	_ =	shalt  }
0x78: {  	_ =	shalt  }
0x79: {  	_ =	shalt  }
0x7a: {  	_ =	shalt  }
0x7b: {  	_ =	shalt  }
0x7c: {  	_ =	shalt  }
0x7d: {  	_ =	shalt  }
0x7e: {  	_ =	shalt  }
0x7f: {  	_ =	shalt  }
0x80: {  	_ =	shalt  }
0x81: {  	_ =	shalt  }
0x82: {  	_ =	shalt  }
0x83: {  	_ =	shalt  }
0x84: {  	_ =	shalt  }
0x85: {  	_ =	shalt  }
0x86: {  	_ =	shalt  }
0x87: {  	_ =	shalt  }
.Lfunc_end0:
.L_simem_size_0:
called_computation_lowered:
.L_overlay_start_0:
0x88: {  	s2 =	sld [smem:$0x3FD9]  }
0x89: {  	s3 =	sld [smem:$0x3FFE];
	_ =	sdelay $0x1  }
0x8a: {  	s1 =	srdreg.scid  }
0x8b: {  	s0 =	sand.u32 $0x1, s1  }
0x8c: {  	s17 =	sshll.u32 s0, $0xA;
	s2 =	sadd.s32 s3, s2  }
0x8d: {  	s2 =	sadd.s32 s2, s17  }
0x8e: {  	[smem:$0x3FC6] =	sst s2  }
0x8f: {  	_ = 	snop  }
0x90: {  	s2 =	sld [smem:$0x3FC8];
	(tm) =	ssettm $0x1  }
0x91: {  	s18 =	sld [smem:$0x3FFB];
	_ =	sdelay $0x3  }
0x92: {  	_ =	strace s18  }
0x93: {  	s3 =	sld [smem:$0x3FFC];
	_ =	sdelay $0x3  }
0x94: {  	_ =	strace s3  }
0x95: {  	s3 =	sld [smem:$0x3FFD];
	_ =	sdelay $0x3  }
0x96: {  	_ =	strace s3  }
0x97: {  	_ =	strace $0x8FFFFFFF  }
0x98: {  	s19 =	sld [smem:$0x3FDB];
	_ =	sdelay $0x1  }
0x99: {  	s4 =	simm.s32 $_scs_section_size  }
0x9a: {  	s5 =	simm.s32 $_size__tile_overlayer_lowered;
	s6 =	simm.s32 $_tile_overlayer_lowered  }
0x9b: {  	s22 =	simm.s32 $0x1BFF;
	s21 =	sshll.u32 s6, $0x1;
	s3 =	sadd.s32 s4, s19  }
0x9c: {  	s7 =	simm.s32 $0x0;
	s20 =	sshll.u32 s5, $0x1;
	s5 =	sadd.s32 s21, s3  }
0x9d: {  	[timem:s7], [sflag:s22] =	dma.local [hbm:s5], s20  }
0x9e: {  	_ =	swait.ge [sflag:s22], s20  }
0x9f: {  	s4 =	ssub.s32 $0x0, s20;
	[sflag:s22] =	ssyncset.done $0x0  }
0xa0: {  	[sflag:s22] =	ssyncadd.s32 s4;
	_ =	sdelay $0x1  }
0xa1: {  	s23 =	simm.s32 $0x1B8B  }
0xa2: {  	_ =	swait.ge [sflag:s23], $0x1  }
0xa3: {  	[sflag:s23] =	ssyncset.done $0x0  }
0xa4: {  	s25 =	simm.s32 $0x1B8E;
	s24 =	sld [smem:$0x3FFE];
	[sflag:s23] =	ssyncadd.s32 $0xFFFFFFFF  }
0xa5: {  	s26 =	simm.s32 $execute0_lowered;
	[smem:$0x3FD2] =	sst s25  }
0xa6: {  	s5 =	sshll.u32 s26, $0x1;
	_ =	strace $0x80000046;
	[dreg:$0x1] =	wrdreg $0xFFFFFFFF  }
0xa7: {  	s28 =	simm.s32 $_size_execute0_lowered;
	s3 =	sadd.s32 s3, s5;
	[dreg:$0x0] =	wrdreg $0x0  }
0xa8: {  	s5 =	sshll.u32 s28, $0x1;
	[dreg:$0x2] =	wrdreg s3  }
0xa9: {  	[dreg:$0x3] =	wrdreg s5  }
0xaa: {  	[dreg:$0x4] =	wrdreg $0xC0  }
0xab: {  	_ =	task [dreg:s7], $0x5FFFF  }
0xac: {  	[dreg:$0x1] =	wrdreg $0xFFFFFFFF  }
0xad: {  	[dreg:$0x0] =	wrdreg $0x60  }
0xae: {  	[dreg:$0x2] =	wrdreg s24  }
0xaf: {  	[dreg:$0x3] =	wrdreg s2  }
0xb0: {  	[dreg:$0x4] =	wrdreg $0x9  }
0xb1: {  	_ =	task.clear_ibuf [dreg:s7], $0x5FFFF;
	_ =	strace $0x90000046  }
0xb2: {  	s29 =	simm.s32 $0x9;
	_ =	strace $0x80000048  }
0xb3: {  	_ =	swait.ge [sflag:s29], $0x1  }
0xb4: {  	[sflag:s29] =	ssyncadd.s32 $0xFFFFFFFF  }
0xb5: {  	_ =	strace $0x90000048  }
0xb6: {  	_ =	sfence  }
0xb7: {  	s30 =	sld [smem:$0x0];
	_ =	sdelay $0x2  }
0xb8: {  	s31 =	sshll.u32 s1, $0xD;
	s1 =	sshrl.u32 s1, $0x2  }
0xb9: {  	s3 =	sand.u32 $0x4000, s31;
	s1 =	sadd.s32 s1, s30  }
0xba: {  	s0 =	sor.u32 s3, s0;
	s1 =	sshll.u32 s1, $0x11  }
0xbb: {  	s0 =	sor.u32 s1, s0  }
0xbc: {  	s0 =	sadd.s32 $0x8F2B, s0  }
0xbd: {  	[sflag:s0] =	ssyncadd.remote.s32 $0x1  }
0xbe: {  	_ =	sfence.sel $0xFFFF  }
0xbf: {  	[dreg:$0x0] =	wrdreg $0xFFFFFFFF;
	(pc) =	sbr.abs _section_cstart, $3  }
0xc0: {  	[dreg:$0x1] =	wrdreg $0xFFFFFFFF  }
0xc1: {  	_ =	task.clear_ibuf [dreg:s7], $0x2FFFF;
	_ =	strace $0x9FFFFFFF  }
0xc2: {  	(tm) =	ssettm $0x7FFFFFFF  }
0xc3: {  	_ =	shalt  }
tec
execute0_lowered:
.L_overlay_start_1:
0x0: {  	(tag) =	ssettag $0x1  }
0x1: {  	v0 =	vimm.s32 $0x2780;
	vm1 =	vcmask $0x300;
	vm2 =	vcmask $0x704  }
0x2: {  	vm3 =	vcmask $0xB08;
	vm4 =	vcmask $0xF0C;
	vm5 =	vcmask $0x1310  }
0x3: {  	vm6 =	vcmask $0x1714;
	vm7 =	vcmask $0x1B18;
	vm0 =	vcmask $0x1F1C  }
0x4: {  	v1 =	vimm.s32 $0x2380;
	v2 =	vimm.s32 $0x2383;
	vm9 =	vcmask $0x2320  }
0x5: {  	vm10 =	vcmask $0x2724;
	vm11 =	vcmask $0x2B28;
	vm12 =	vcmask $0x2F2C  }
0x6: {  	vm13 =	vcmask $0x3330;
	vm14 =	vcmask $0x3734;
	vm15 =	vcmask $0x3B38  }
0x7: {  	v0 =	vsel vm1, $0x0, v0;
	v1 =	vsel vm1, $0x0, v1;
	v2 =	vsel vm1, $0x3, v2  }
0x8: {  	v0 =	vsel vm2, $0x80, v0;
	v1 =	vsel vm2, $0x80, v1;
	v2 =	vsel vm2, $0x83, v2  }
0x9: {  	v0 =	vsel vm3, $0x100, v0;
	v1 =	vsel vm3, $0x100, v1;
	v2 =	vsel vm3, $0x103, v2  }
0xa: {  	v0 =	vsel vm4, $0x180, v0;
	v1 =	vsel vm4, $0x180, v1;
	v2 =	vsel vm4, $0x183, v2  }
0xb: {  	v0 =	vsel vm5, $0x200, v0;
	v1 =	vsel vm5, $0x200, v1;
	v2 =	vsel vm5, $0x203, v2  }
0xc: {  	s1 =	srdreg.scid;
	s4 =	rddreg [dreg:$0x0];
	v0 =	vsel vm6, $0x280, v0;
	v1 =	vsel vm6, $0x280, v1;
	v2 =	vsel vm6, $0x283, v2  }
0xd: {  	s0 =	stileid.u32;
	s6 =	rddreg [dreg:$0x1];
	s10 =	simm.s32 $0x2;
	v0 =	vsel vm7, $0x300, v0;
	v1 =	vsel vm7, $0x300, v1;
	v2 =	vsel vm7, $0x303, v2  }
0xe: {  	s11 =	simm.s32 $0x0;
	s3 =	sand.u32 $0x1, s1;
	s30 =	sshll.u32 s0, $0x5;
	v0 =	vsel vm0, $0x380, v0;
	v1 =	vsel vm0, $0x380, v1;
	v2 =	vsel vm0, $0x383, v2  }
0xf: {  	s1 =	rddreg [dreg:$0x2];
	s2 =	sshll.u32 s3, $0x4;
	s3 =	ssub.s32 $0x2, s3;
	v0 =	vsel vm9, $0x2400, v0;
	v1 =	vsel vm9, $0x2000, v1;
	v2 =	vsel vm9, $0x2003, v2  }
0x10: {  	s5 =	sor.u32 s2, s30;
	s2 =	simm.s32 $0x0;
	s9 =	sshrl.u32 s3, $0x1;
	v0 =	vsel vm10, $0x2480, v0;
	v1 =	vsel vm10, $0x2080, v1;
	v2 =	vsel vm10, $0x2083, v2  }
0x11: {  	s7 =	sshrl.u32 s5, $0x3;
	[smem:$0x7FF] =	sst s2;
	s9 =	ssub.s32 s3, s9;
	v0 =	vsel vm11, $0x2500, v0;
	v1 =	vsel vm11, $0x2100, v1;
	v2 =	vsel vm11, $0x2103, v2  }
0x12: {  	s8 =	smul.u32 $0x480, s7;
	_ =	strace $0x80000047;
	s7 =	sadd.s32 s7, s4;
	v0 =	vsel vm12, $0x2580, v0;
	v1 =	vsel vm12, $0x2180, v1;
	v2 =	vsel vm12, $0x2183, v2  }
0x13: {  	s31 =	sshll.u32 s5, $0x7;
	s5 =	sadd.s32 $0x120600, s7;
	s7 =	simm.s32 $0x4800;
	v0 =	vsel vm13, $0x2600, v0;
	v1 =	vsel vm13, $0x2200, v1;
	v2 =	vsel vm13, $0x2203, v2  }
0x14: {  	s8 =	sadd.s32 s8, s4;
	s4 =	sadd.s32 s6, s31;
	s6 =	smax.u32 s9, $0x1;
	v0 =	vsel vm14, $0x2680, v0;
	v1 =	vsel vm14, $0x2280, v1;
	v2 =	vsel vm14, $0x2283, v2  }
0x15: {  	s9 =	simm.s32 $0x8800;
	s3 =	sadd.s32 $0x600, s8;
	s8 =	simm.s32 $0x1;
	v0 =	vsel vm15, $0x2700, v0;
	v1 =	vsel vm15, $0x2300, v1;
	v2 =	vsel vm15, $0x2303, v2  }
.LBB2_1:
0x16: {  	v6 =	vimm.s32 $0x0  }
0x17: {  	v3 =	vimm.s32 $0x1;
	v7 =	vand.u32 $0x78, v6;
	v8 =	vshll.u32 v6, $0x3  }
0x18: {  	[tilespmem:s2], [sflag:$0x1] =	stream.linear.gather [hbm4b:s3+s2], $0x4800, $0x38;
	v9 =	vadd.s32 $0x7, v3;
	v10 =	vadd.s32 $0x5, v3;
	v11 =	vadd.s32 $0x6, v3;
	[tilespmem:$0x8880] =	vst v63  }
0x19: {  	v4 =	vadd.s32 $0x3, v3;
	v12 =	vadd.s32 $0x4, v3;
	v13 =	vadd.s32 $0x2, v3  }
0x1a: {  	v14 =	vshll.u32 v3, $0x3;
	v15 =	vand.u32 $0x7F, v3;
	v16 =	vadd.s32 $0x1, v3;
	[tilespmem:s7], [sflag:$0x1] =	stream.linear.gather [hbm4b:s4+s2], $0x4000, $0x38;
	[tilespmem:$0x8880] =	vst v63  }
0x1b: {  	v14 =	vand.u32 $0xFFFFFC00, v14;
	v17 =	vand.u32 $0x7F, v9;
	v18 =	vshll.u32 v16, $0x3;
	_ =	swait.ge [sflag:s8], $0x4800  }
0x1c: {  	v19 =	vshll.u32 v9, $0x3;
	v9 =	vand.u32 $0x7F, v12;
	v14 =	vor.u32 v15, v14;
	[sflag:s8] =	ssyncset.done $0x0  }
0x1d: {  	v15 =	vand.u32 $0x7F, v16;
	v16 =	vand.u32 $0xFFFFFC00, v18;
	v14 =	vadd.s32 v0, v14;
	[sflag:s8] =	ssyncadd.s32 $0xFFFFB800  }
0x1e: {  	v18 =	vand.u32 $0x7F, v13;
	v13 =	vshll.u32 v13, $0x3;
	v15 =	vor.u32 v15, v16;
	_ =	swait.ge [sflag:s8], $0x4000  }
0x1f: {  	v13 =	vand.u32 $0xFFFFFC00, v13;
	v16 =	vshll.u32 v4, $0x3;
	v15 =	vadd.s32 v0, v15;
	[sflag:s8] =	ssyncset.done $0x0  }
0x20: {  	v13 =	vor.u32 v18, v13;
	v18 =	vand.u32 $0x7F, v4;
	v16 =	vand.u32 $0xFFFFFC00, v16;
	[sflag:s8] =	ssyncadd.s32 $0xFFFFC000  }
0x21: {  	v13 =	vadd.s32 v0, v13;
	v16 =	vor.u32 v18, v16;
	v18 =	vshll.u32 v12, $0x3;
	v4 =	vld.idx.msk [tilespmem:v0+s2+$0x0], $0xffff  }
0x22: {  	v16 =	vadd.s32 v0, v16;
	v12 =	vand.u32 $0xFFFFFC00, v18;
	v18 =	vshll.u32 v10, $0x3;
	v14 =	vld.idx.msk [tilespmem:v14+s2+$0x0], $0xffff  }
0x23: {  	v10 =	vand.u32 $0x7F, v10;
	v9 =	vor.u32 v9, v12;
	v12 =	vand.u32 $0xFFFFFC00, v18  }
0x24: {  	v18 =	vadd.s32 v0, v9;
	v9 =	vor.u32 v10, v12;
	v10 =	vshll.u32 v11, $0x3;
	v15 =	vld.idx.msk [tilespmem:v15+s2+$0x0], $0xffff  }
0x25: {  	v8 =	vand.u32 $0xFFFFFC00, v8;
	v11 =	vand.u32 $0x7F, v11;
	v10 =	vand.u32 $0xFFFFFC00, v10  }
0x26: {  	v20 =	vadd.s32 v0, v9;
	v9 =	vor.u32 v7, v8;
	v12 =	vld.idx.msk [tilespmem:v13+s2+$0x0], $0xffff;
	v10 =	vor.u32 v11, v10  }
0x27: {  	v11 =	vand.u32 $0xFFFFFC00, v19;
	v8 =	vadd.s32 v1, v9;
	v7 =	vsub.f32 v14, v4  }
0x28: {  	v13 =	vadd.s32 v0, v10;
	v10 =	vor.u32 v17, v11;
	v14 =	vld.idx.msk [tilespmem:v16+s2+$0x0], $0xffff  }
0x29: {  	v16 =	vsub.f32 v15, v4;
	v15 =	vadd.s32 v0, v10;
	v7 =	vmul.f32 $1.442695020e+00, v7  }
0x2a: {  	v5 =	vimm.f32 $0.0e+00;
	v6 =	vadd.s32 $0x8, v6;
	v11 =	vld.idx.msk [tilespmem:v18+s2+$0x0], $0xffff;
	v10 =	vor.u32 $0x1, v8  }
0x2b: {  	s12 =	simm.s32 $0x0;
	v17 =	vsub.f32 v12, v4;
	v12 =	vld.idx.msk [tilespmem:v20+s2+$0x0], $0xffff;
	v16 =	vmul.f32 $1.442695020e+00, v16;
	(erf) = vpow2.f32 v7  }
.LBB2_2:
0x2c: {  	v7 =	vand.u32 $0x78, v6;
	v18 =	vld.idx.msk [tilespmem:v8+s7+$0x0], $0xffff;
	v19 =	vor.u32 $0x2, v8;
	v3 =	vadd.s32 $0x8, v3  }
0x2d: {  	v14 =	vsub.f32 v14, v4;
	v17 =	vmul.f32 $1.442695020e+00, v17;
	v13 =	vld.idx.msk [tilespmem:v13+s2+$0x0], $0xffff;
	(erf) = vpow2.f32 v16  }
0x2e: {  	v9 =	vadd.s32 v2, v9;
	v16 =	vshll.u32 v6, $0x3;
	v20 =	vadd.s32 $0x7, v3;
	v15 =	vld.idx.msk [tilespmem:v15+s2+$0x0], $0xffff  }
0x2f: {  	v14 =	vmul.f32 $1.442695020e+00, v14;
	v11 =	vsub.f32 v11, v4;
	(erf) = vpow2.f32 v17  }
0x30: {  	v22 =	vor.u32 $0x4, v8;
	v21 =	vadd.s32 $0x6, v3;
	v17 =	vadd.s32 $0x5, v3;
	v10 =	vld.idx.msk [tilespmem:v10+s7+$0x0], $0xffff  }
0x31: {  	v11 =	vmul.f32 $1.442695020e+00, v11;
	v12 =	vsub.f32 v12, v4;
	(erf) = vpow2.f32 v14  }
0x32: {  	v24 =	vor.u32 $0x5, v8;
	v23 =	vadd.s32 $0x4, v3;
	v14 =	vadd.s32 $0x3, v3;
	v19 =	vld.idx.msk [tilespmem:v19+s7+$0x0], $0xffff  }
0x33: {  	v25 =	vmul.f32 $1.442695020e+00, v12;
	v13 =	vsub.f32 v13, v4;
	(erf) = vpow2.f32 v11  }
0x34: {  	vm0 =	vlt.f32 v18, $8.000000110e-01;
	v11 =	vor.u32 $0x6, v8;
	v15 =	vsub.f32 v15, v4;
	v9 =	vld.idx.msk [tilespmem:v9+s7+$0x0], $0xffff;
	v18 =	vpop (erf)  }
0x35: {  	v13 =	vmul.f32 $1.442695020e+00, v13;
	v18 =	vnsel vm0, $0x0, v18;
	(erf) = vpow2.f32 v25  }
0x36: {  	v8 =	vor.u32 $0x7, v8;
	vm0 =	vlt.f32 v10, $8.000000110e-01;
	v5 =	vadd.f32 v18, v5;
	v10 =	vld.idx.msk [tilespmem:v22+s7+$0x0], $0xffff;
	v12 =	vpop (erf)  }
0x37: {  	v15 =	vmul.f32 $1.442695020e+00, v15;
	v12 =	vnsel vm0, $0x0, v12;
	(erf) = vpow2.f32 v13  }
0x38: {  	v13 =	vadd.s32 $0x2, v3;
	vm0 =	vlt.f32 v19, $8.000000110e-01;
	v5 =	vadd.f32 v12, v5;
	v12 =	vld.idx.msk [tilespmem:v24+s7+$0x0], $0xffff;
	v18 =	vpop (erf)  }
0x39: {  	v19 =	vand.u32 $0x7F, v3;
	v18 =	vnsel vm0, $0x0, v18;
	(erf) = vpow2.f32 v15  }
0x3a: {  	v15 =	vadd.s32 $0x1, v3;
	vm0 =	vlt.f32 v9, $8.000000110e-01;
	v5 =	vadd.f32 v18, v5;
	v9 =	vld.idx.msk [tilespmem:v11+s7+$0x0], $0xffff;
	v11 =	vpop (erf)  }
0x3b: {  	v22 =	vand.u32 $0x7F, v20;
	v18 =	vshll.u32 v3, $0x3;
	v11 =	vnsel vm0, $0x0, v11  }
0x3c: {  	v16 =	vand.u32 $0xFFFFFC00, v16;
	vm0 =	vlt.f32 v10, $8.000000110e-01;
	v5 =	vadd.f32 v11, v5;
	v8 =	vld.idx.msk [tilespmem:v8+s7+$0x0], $0xffff;
	v10 =	vpop (erf)  }
0x3d: {  	v11 =	vand.u32 $0x7F, v13;
	v13 =	vshll.u32 v13, $0x3;
	v25 =	vnsel vm0, $0x0, v10  }
0x3e: {  	s12 =	sadd.s32 $0x8, s12;
	v24 =	vand.u32 $0x7F, v15;
	vm0 =	vlt.f32 v12, $8.000000110e-01;
	v5 =	vadd.f32 v25, v5;
	v10 =	vpop (erf)  }
0x3f: {  	p0 =	slt.u32 s12, $0x3F8;
	v15 =	vshll.u32 v15, $0x3;
	v12 =	vand.u32 $0xFFFFFC00, v18;
	v10 =	vnsel vm0, $0x0, v10  }
0x40: {  	v12 =	vor.u32 v19, v12;
	vm0 =	vlt.f32 v9, $8.000000110e-01;
	v5 =	vadd.f32 v10, v5;
	v9 =	vpop (erf)  }
0x41: {  	v10 =	vadd.s32 v0, v12;
	v12 =	vand.u32 $0xFFFFFC00, v15;
	v9 =	vnsel vm0, $0x0, v9  }
0x42: {  	v12 =	vor.u32 v24, v12;
	vm0 =	vlt.f32 v8, $8.000000110e-01;
	v5 =	vadd.f32 v9, v5;
	v8 =	vpop (erf)  }
0x43: {  	v9 =	vadd.s32 v0, v12;
	v12 =	vand.u32 $0xFFFFFC00, v13;
	v8 =	vnsel vm0, $0x0, v8  }
0x44: {  	v11 =	vor.u32 v11, v12;
	v12 =	vshll.u32 v14, $0x3;
	v5 =	vadd.f32 v8, v5  }
0x45: {  	v8 =	vadd.s32 v0, v11;
	v11 =	vand.u32 $0x7F, v14;
	v12 =	vand.u32 $0xFFFFFC00, v12  }
0x46: {  	v13 =	vshll.u32 v20, $0x3;
	v11 =	vor.u32 v11, v12;
	v12 =	vshll.u32 v23, $0x3;
	v10 =	vld.idx.msk [tilespmem:v10+s2+$0x0], $0xffff  }
0x47: {  	v14 =	vand.u32 $0x7F, v23;
	v11 =	vadd.s32 v0, v11;
	v12 =	vand.u32 $0xFFFFFC00, v12  }
0x48: {  	v18 =	vand.u32 $0x7F, v21;
	v15 =	vld.idx.msk [tilespmem:v9+s2+$0x0], $0xffff;
	v9 =	vor.u32 v14, v12;
	v12 =	vshll.u32 v17, $0x3  }
0x49: {  	v14 =	vand.u32 $0x7F, v17;
	v19 =	vadd.s32 v0, v9;
	v12 =	vand.u32 $0xFFFFFC00, v12  }
0x4a: {  	v9 =	vor.u32 v7, v16;
	v7 =	vld.idx.msk [tilespmem:v8+s2+$0x0], $0xffff;
	v8 =	vor.u32 v14, v12;
	v12 =	vshll.u32 v21, $0x3  }
0x4b: {  	v16 =	vand.u32 $0xFFFFFC00, v13;
	v20 =	vadd.s32 v0, v8;
	v12 =	vand.u32 $0xFFFFFC00, v12  }
.Ltmp0:
0x4c: {  	v8 =	vadd.s32 v1, v9;
	v10 =	vsub.f32 v10, v4;
	v14 =	vld.idx.msk [tilespmem:v11+s2+$0x0], $0xffff;
	v11 =	vor.u32 v18, v12;
	(pc) =	sbr.rel @p0 .LBB2_2-.Ltmp0, $4  }
0x4d: {  	v12 =	vor.u32 v22, v16;
	v13 =	vadd.s32 v0, v11  }
0x4e: {  	v18 =	vmul.f32 $1.442695020e+00, v10;
	v16 =	vsub.f32 v15, v4;
	v15 =	vadd.s32 v0, v12;
	v11 =	vld.idx.msk [tilespmem:v19+s2+$0x0], $0xffff  }
0x4f: {  	v6 =	vadd.s32 $0x8, v6;
	v10 =	vor.u32 $0x1, v8  }
0x50: {  	v16 =	vmul.f32 $1.442695020e+00, v16;
	v17 =	vsub.f32 v7, v4;
	v12 =	vld.idx.msk [tilespmem:v20+s2+$0x0], $0xffff;
	(erf) = vpow2.f32 v18  }
0x51: {  	_ =	sdelay $0x3  }
0x52: {  	v3 =	vld.idx.msk [tilespmem:v8+s7+$0x0], $0xffff;
	v7 =	vsub.f32 v14, v4;
	v6 =	vmul.f32 $1.442695020e+00, v17;
	(erf) = vpow2.f32 v16  }
0x53: {  	v43 =	vor.u32 $0x2, v8;
	v13 =	vld.idx.msk [tilespmem:v13+s2+$0x0], $0xffff  }
0x54: {  	v15 =	vld.idx.msk [tilespmem:v15+s2+$0x0], $0xffff;
	v7 =	vmul.f32 $1.442695020e+00, v7;
	v11 =	vsub.f32 v11, v4;
	(erf) = vpow2.f32 v6  }
0x55: {  	v44 =	vadd.s32 v2, v9  }
0x56: {  	v45 =	vld.idx.msk [tilespmem:v10+s7+$0x0], $0xffff;
	v46 =	vmul.f32 $1.442695020e+00, v11;
	v47 =	vsub.f32 v12, v4;
	(erf) = vpow2.f32 v7  }
0x57: {  	v48 =	vor.u32 $0x4, v8  }
0x58: {  	v49 =	vld.idx.msk [tilespmem:v43+s7+$0x0], $0xffff;
	v13 =	vsub.f32 v13, v4;
	v11 =	vmul.f32 $1.442695020e+00, v47;
	(erf) = vpow2.f32 v46  }
0x59: {  	v50 =	vor.u32 $0x5, v8;
	vm0 =	vlt.f32 v3, $8.000000110e-01;
	v3 =	vsub.f32 v15, v4;
	v51 =	vpop (erf)  }
0x5a: {  	v6 =	vld.idx.msk [tilespmem:v44+s7+$0x0], $0xffff;
	v13 =	vmul.f32 $1.442695020e+00, v13;
	(erf) = vpow2.f32 v11;
	v4 =	vnsel vm0, $0x0, v51  }
0x5b: {  	v52 =	vor.u32 $0x6, v8;
	vm9 =	vlt.f32 v45, $8.000000110e-01;
	v4 =	vadd.f32 v4, v5;
	v53 =	vpop (erf)  }
0x5c: {  	v7 =	vld.idx.msk [tilespmem:v48+s7+$0x0], $0xffff;
	v3 =	vmul.f32 $1.442695020e+00, v3;
	(erf) = vpow2.f32 v13;
	v5 =	vnsel vm9, $0x0, v53  }
0x5d: {  	v54 =	vor.u32 $0x7, v8;
	vm10 =	vlt.f32 v49, $8.000000110e-01;
	v4 =	vadd.f32 v5, v4;
	v55 =	vpop (erf)  }
0x5e: {  	v56 =	vld.idx.msk [tilespmem:v50+s7+$0x0], $0xffff;
	(erf) = vpow2.f32 v3;
	v5 =	vnsel vm10, $0x0, v55  }
0x5f: {  	vm11 =	vlt.f32 v6, $8.000000110e-01;
	v57 =	vpop (erf);
	v3 =	vadd.f32 v5, v4  }
0x60: {  	v58 =	vld.idx.msk [tilespmem:v52+s7+$0x0], $0xffff;
	v4 =	vnsel vm11, $0x0, v57  }
0x61: {  	vm12 =	vlt.f32 v7, $8.000000110e-01;
	v59 =	vpop (erf);
	v3 =	vadd.f32 v4, v3  }
0x62: {  	v60 =	vld.idx.msk [tilespmem:v54+s7+$0x0], $0xffff;
	v4 =	vnsel vm12, $0x0, v59  }
0x63: {  	vm13 =	vlt.f32 v56, $8.000000110e-01;
	v61 =	vpop (erf);
	v3 =	vadd.f32 v4, v3  }
0x64: {  	v4 =	vnsel vm13, $0x0, v61  }
0x65: {  	vm14 =	vlt.f32 v58, $8.000000110e-01;
	v62 =	vpop (erf);
	v3 =	vadd.f32 v4, v3  }
0x66: {  	v4 =	vnsel vm14, $0x0, v62  }
0x67: {  	vm15 =	vlt.f32 v60, $8.000000110e-01;
	v63 =	vpop (erf);
	v3 =	vadd.f32 v4, v3  }
0x68: {  	v4 =	vnsel vm15, $0x0, v63  }
0x69: {  	s11 =	sadd.s32 $0x1, s11;
	v3 =	vadd.f32 v4, v3  }
0x6a: {  	p0 =	sne.s32 s11, s6  }
.Ltmp1:
0x6b: {  	[tilespmem:$0x8800] =	vst v3;
	(pc) =	sbr.rel @p0 .LBB2_1-.Ltmp1, $4  }
0x6c: {  	[hbm4b:s5+s2] =	stream.linear.scatter [tilespmem:s9], [sflag:$0x2], $0x10, $0x38;
	[tilespmem:$0x8880] =	vst v63  }
0x6d: {  	_ =	swait.ge [sflag:s10], $0x10  }
0x6e: {  	[sflag:s10] =	ssyncset.done $0x0  }
0x6f: {  	[sflag:s10] =	ssyncadd.s32 $0xFFFFFFF0  }
0x70: {  	_ =	sfence.sel $0x180000  }
0x71: {  	[bflag:$0x0] =	sbarrier.arrive $0xFFFF  }
0x72: {  	p0 =	sne.s32 s0, $0x0;
	_ =	strace $0x90000047  }
0x73: {  	s0 =	sadd.s32 @!p0 $0x100000, s1;
	[bflag:$0x2] =	sbarrier.arrive $0xFFFF  }
0x74: {  	[sflag:s0] =	ssyncadd.tile.s32 @!p0 $0x1;
	_ =	shalt  }
.Lfunc_end2:
_tile_overlayer_lowered:
.L_overlay_start_2:
0x75: {  	(tag) =	ssettag $0x2  }
0x76: {  	s0 =	rddreg [dreg:$0x0];
	s2 =	stileid.u32  }
0x77: {  	s1 =	rddreg [dreg:$0x1];
	p0 =	sne.s32 s2, $0x0  }
0x78: {  	s3 =	rddreg [dreg:$0x2];
	[bflag:$0x3] =	sbarrier.arrive $0xFFFF;
	s2 =	simm.s32 @!p0 $0x1C02  }
0x79: {  	[timem:s3], [sflag:s2] =	dma.local @!p0 [hbm:s0], s1  }
0x7a: {  	s0 =	simm.s32 @!p0 $0x2  }
0x7b: {  	_ =	swait.ge @!p0 [sflag:s0], s1  }
0x7c: {  	s1 =	ssub.s32 @!p0 $0x0, s1;
	[sflag:s0] =	ssyncset.done @!p0 $0x0  }
0x7d: {  	[sflag:s0] =	ssyncadd.s32 @!p0 s1  }
0x7e: {  	[bflag:$0x3] =	sbarrier.arrive $0xFFFF  }
0x7f: {  	_ =	shalt  }

</sc_bundles>
